<compile_context>
chip_gen: v7x
topology: tpu7x:2x2x1
jax: 0.10.2.dev20260603
libtpu: 0.0.44.dev20260713+nightly
codegen_flags: <defaults>
</compile_context>

<pallas_src>
import functools

import jax
import jax.numpy as jnp
from jax import lax
from jax.experimental import pallas as pl
from jax.experimental.pallas import tpu as pltpu
from jax.experimental.pallas import tpu_sc as plsc

N_NODES = 10000
N_EDGES = 160000
D_FEAT = 256

NW = 32
NBINS = 10016
EPT_HI = 5008
EPT_LO = 4992
BASE_LO = 16 * EPT_HI

_mesh = plsc.VectorSubcoreMesh(core_axis_name="c", subcore_axis_name="s")


@functools.partial(
    pl.kernel,
    mesh=_mesh,
    out_type=jax.ShapeDtypeStruct((NW, NBINS), jnp.int32),
    scratch_types=[
        pltpu.VMEM((EPT_HI,), jnp.int32),
        pltpu.VMEM((NBINS,), jnp.int32),
    ],
    compiler_params=pltpu.CompilerParams(needs_layout_passes=False),
)
def _degree_kernel(col_hbm, out_hbm, idx_v, counts_v):
    cid = lax.axis_index("c")
    sid = lax.axis_index("s")
    wid = sid * 2 + cid
    hi = wid < 16

    @pl.when(hi)
    def _():
        pltpu.sync_copy(col_hbm.at[pl.ds(wid * EPT_HI, EPT_HI)], idx_v)

    @pl.when(jnp.logical_not(hi))
    def _():
        pltpu.sync_copy(
            col_hbm.at[pl.ds(BASE_LO + (wid - 16) * EPT_LO, EPT_LO)],
            idx_v.at[pl.ds(0, EPT_LO)],
        )

    def zero_body(i, carry):
        counts_v[pl.ds(i * 16, 16)] = jnp.zeros((16,), jnp.int32)
        return carry

    lax.fori_loop(0, NBINS // 16, zero_body, 0, unroll=8)

    ones = jnp.ones((16,), jnp.int32)

    def hist_body(i, carry):
        idx = idx_v[pl.ds(i * 16, 16)]
        plsc.addupdate_scatter(counts_v, [idx], ones)
        return carry

    lax.fori_loop(0, EPT_LO // 16, hist_body, 0, unroll=8)

    @pl.when(hi)
    def _():
        idx = idx_v[pl.ds(EPT_LO, 16)]
        plsc.addupdate_scatter(counts_v, [idx], ones)

    pltpu.sync_copy(counts_v, out_hbm.at[wid])


_ROWS = 5120


def _scale_body(cnt_ref, x_ref, out_ref):
    deg = jnp.sum(cnt_ref[...], axis=0).astype(jnp.float32)
    out_ref[...] = x_ref[...] * deg[:, None]


def _scale(counts, x):
    return pl.pallas_call(
        _scale_body,
        grid=(pl.cdiv(N_NODES, _ROWS),),
        in_specs=[
            pl.BlockSpec((NW, _ROWS), lambda i: (0, i)),
            pl.BlockSpec((_ROWS, D_FEAT), lambda i: (i, 0)),
        ],
        out_specs=pl.BlockSpec((_ROWS, D_FEAT), lambda i: (i, 0)),
        out_shape=jax.ShapeDtypeStruct((N_NODES, D_FEAT), jnp.float32),
    )(counts, x)


@jax.jit
def kernel(edge_index, x):
    counts = _degree_kernel(edge_index[1])
    return _scale(counts, x)

# --- scband reference (transcript-rebuilt; emitter-appended) ---
"""Pipeline reference for scband-message-passing-59536836657835 (READ-ONLY COPY).

The authoritative reference and input builder live on the scoring server;
editing this copy changes nothing except your own understanding.
"""

import jax, jax.numpy as jnp
import numpy as np

N_NODES = 10000
N_EDGES = 160000
D_FEAT = 256


def setup_inputs(seed: int = 0) -> dict:
    key = jax.random.key(seed)
    k1, k2 = jax.random.split(key)
    x = jax.random.normal(k1, (N_NODES, D_FEAT), dtype=jnp.float32)
    edge_index = jax.random.randint(k2, (2, N_EDGES), 0, N_NODES, dtype=jnp.int32)
    return {"edge_index": edge_index, "x": x}


def reference(edge_index, x):
    # propagate: row, col = edge_index; messages = message(x[row], x[col]) = x[col]
    row = edge_index[0]
    col = edge_index[1]
    messages = jnp.take(x, col, axis=0)
    # aggregate with aggr='add': scatter_add of messages into col slots
    num_nodes = x.shape[0]
    aggr_out = jax.ops.segment_sum(messages, col, num_segments=num_nodes)
    # update: returns aggr_out
    return aggr_out

if __name__ == "__main__":
    import jax
    _d = setup_inputs()
    print(jax.jit(kernel)(*tuple(_d.values())))

</pallas_src>

<mosaic_0001>
#map = affine_map<(d0, d1) -> (0)>
#map1 = affine_map<(d0, d1) -> (0, 0)>
module attributes {stable_mosaic.version = 14 : i64} {
  func.func @_degree_kernel(%arg0: i32, %arg1: i32, %arg2: memref<160000xi32, #tpu.memory_space<hbm>>, %arg3: memref<32x10016xi32, #tpu.memory_space<hbm>>, %arg4: memref<5008xi32, #tpu.memory_space<vmem>>, %arg5: memref<10016xi32, #tpu.memory_space<vmem>>) attributes {dimension_semantics = [#tpu.dimension_semantics<core_parallel>, #tpu.dimension_semantics<subcore_parallel>], iteration_bounds = array<i64: 2, 16>, scalar_prefetch = 0 : i64, scratch_operands = 2 : i64, tpu.core_type = #tpu.core_type<sc_vector_subcore>, window_params = [{transform_indices = #map}, {transform_indices = #map1}]} {
    %mul3A = arith.constant 2 : i32
    %mul3A_0 = arith.muli %arg1, %mul3A : i32
    %add3A = arith.addi %mul3A_0, %arg0 : i32
    %lt3A = arith.constant 16 : i32
    %lt3A_1 = arith.cmpi slt, %add3A, %lt3A : i32
    %convert_element_type3A = arith.extui %lt3A_1 : i1 to i32
    %cond3A = arith.constant 0 : i32
    %cond3A_2 = arith.cmpi ne, %convert_element_type3A, %cond3A : i32
    scf.if %cond3A_2 {
      %mul3A_37 = arith.constant 5008 : i32
      %mul3A_38 = arith.muli %add3A, %mul3A_37 : i32
      "tpu.region"() ({
        %run_scoped3A = tpu.sem_alloc : memref<!tpu.dma_semaphore, #tpu.memory_space<semaphore_mem>>
        %dma_start3A = tpu.memref_slice %arg2[%mul3A_38] : memref<160000xi32, #tpu.memory_space<hbm>> -> memref<5008xi32, #tpu.memory_space<hbm>>
        %dma_start3A_39 = tpu.memref_slice %arg2[%mul3A_38] : memref<160000xi32, #tpu.memory_space<hbm>> -> memref<5008xi32, #tpu.memory_space<hbm>>
        tpu.enqueue_dma source(%dma_start3A_39 : memref<5008xi32, #tpu.memory_space<hbm>>) target(%arg4 : memref<5008xi32, #tpu.memory_space<vmem>>) target_semaphore(%run_scoped3A : memref<!tpu.dma_semaphore, #tpu.memory_space<semaphore_mem>>)
        %dma_wait3A = tpu.memref_slice %arg2[%mul3A_38] : memref<160000xi32, #tpu.memory_space<hbm>> -> memref<5008xi32, #tpu.memory_space<hbm>>
        %dma_wait3A_40 = tpu.memref_slice %arg2[%mul3A_38] : memref<160000xi32, #tpu.memory_space<hbm>> -> memref<5008xi32, #tpu.memory_space<hbm>>
        tpu.wait_dma2 semaphore(%run_scoped3A : memref<!tpu.dma_semaphore, #tpu.memory_space<semaphore_mem>>) src(%dma_wait3A_40 : memref<5008xi32, #tpu.memory_space<hbm>>) dst(%arg4 : memref<5008xi32, #tpu.memory_space<vmem>>)
        tpu.yield
      }) : () -> ()
    } else {
    }
    %not3A = arith.constant true
    %not3A_3 = arith.xori %lt3A_1, %not3A : i1
    %convert_element_type3A_4 = arith.extui %not3A_3 : i1 to i32
    %cond3A_5 = arith.constant 0 : i32
    %cond3A_6 = arith.cmpi ne, %convert_element_type3A_4, %cond3A_5 : i32
    scf.if %cond3A_6 {
      %sub3A = arith.constant 16 : i32
      %sub3A_37 = arith.subi %add3A, %sub3A : i32
      %mul3A_38 = arith.constant 4992 : i32
      %mul3A_39 = arith.muli %sub3A_37, %mul3A_38 : i32
      %add3A_40 = arith.constant 80128 : i32
      %add3A_41 = arith.addi %add3A_40, %mul3A_39 : i32
      "tpu.region"() ({
        %run_scoped3A = tpu.sem_alloc : memref<!tpu.dma_semaphore, #tpu.memory_space<semaphore_mem>>
        %dma_start3A = arith.constant 0 : i32
        %dma_start3A_42 = tpu.memref_slice %arg4[%dma_start3A] : memref<5008xi32, #tpu.memory_space<vmem>> -> memref<4992xi32, #tpu.memory_space<vmem>>
        %dma_start3A_43 = tpu.memref_slice %arg2[%add3A_41] : memref<160000xi32, #tpu.memory_space<hbm>> -> memref<4992xi32, #tpu.memory_space<hbm>>
        %dma_start3A_44 = arith.constant 0 : i32
        %dma_start3A_45 = tpu.memref_slice %arg4[%dma_start3A_44] : memref<5008xi32, #tpu.memory_space<vmem>> -> memref<4992xi32, #tpu.memory_space<vmem>>
        %dma_start3A_46 = tpu.memref_slice %arg2[%add3A_41] : memref<160000xi32, #tpu.memory_space<hbm>> -> memref<4992xi32, #tpu.memory_space<hbm>>
        tpu.enqueue_dma source(%dma_start3A_46 : memref<4992xi32, #tpu.memory_space<hbm>>) target(%dma_start3A_45 : memref<4992xi32, #tpu.memory_space<vmem>>) target_semaphore(%run_scoped3A : memref<!tpu.dma_semaphore, #tpu.memory_space<semaphore_mem>>)
        %dma_wait3A = arith.constant 0 : i32
        %dma_wait3A_47 = tpu.memref_slice %arg4[%dma_wait3A] : memref<5008xi32, #tpu.memory_space<vmem>> -> memref<4992xi32, #tpu.memory_space<vmem>>
        %dma_wait3A_48 = tpu.memref_slice %arg2[%add3A_41] : memref<160000xi32, #tpu.memory_space<hbm>> -> memref<4992xi32, #tpu.memory_space<hbm>>
        %dma_wait3A_49 = arith.constant 0 : i32
        %dma_wait3A_50 = tpu.memref_slice %arg4[%dma_wait3A_49] : memref<5008xi32, #tpu.memory_space<vmem>> -> memref<4992xi32, #tpu.memory_space<vmem>>
        %dma_wait3A_51 = tpu.memref_slice %arg2[%add3A_41] : memref<160000xi32, #tpu.memory_space<hbm>> -> memref<4992xi32, #tpu.memory_space<hbm>>
        tpu.wait_dma2 semaphore(%run_scoped3A : memref<!tpu.dma_semaphore, #tpu.memory_space<semaphore_mem>>) src(%dma_wait3A_51 : memref<4992xi32, #tpu.memory_space<hbm>>) dst(%dma_wait3A_50 : memref<4992xi32, #tpu.memory_space<vmem>>)
        tpu.yield
      }) : () -> ()
    } else {
    }
    %scan3A = arith.constant 0 : i32
    %scan3A_7 = arith.constant 0 : i32
    %scan3A_8 = arith.constant 624 : i32
    %scan3A_9 = arith.addi %scan3A_7, %scan3A_8 : i32
    %scan3A_10 = arith.constant 8 : i32
    scf.for %scan3A_37 = %scan3A_7 to %scan3A_9 step %scan3A_10  : i32 {
      %broadcast_in_dim3A_38 = arith.constant 0 : i32
      %broadcast_in_dim3A_39 = vector.broadcast %broadcast_in_dim3A_38 : i32 to vector<16xi32>
      %mul3A_40 = arith.constant 16 : i32
      %mul3A_41 = arith.muli %scan3A_37, %mul3A_40 : i32
      %swap3A_42 = arith.index_cast %mul3A_41 : i32 to index
      %swap3A_43 = tpu.vector_load %arg5[%swap3A_42] {strides = array<i32>} : memref<10016xi32, #tpu.memory_space<vmem>>, vector<16xi32>,
      tpu.vector_store %arg5[%swap3A_42], %broadcast_in_dim3A_39 {strides = array<i32>} : memref<10016xi32, #tpu.memory_space<vmem>>, vector<16xi32>,
      %scan3A_44 = arith.constant 1 : i32
      %scan3A_45 = arith.addi %scan3A_37, %scan3A_44 : i32
      %broadcast_in_dim3A_46 = arith.constant 0 : i32
      %broadcast_in_dim3A_47 = vector.broadcast %broadcast_in_dim3A_46 : i32 to vector<16xi32>
      %mul3A_48 = arith.constant 16 : i32
      %mul3A_49 = arith.muli %scan3A_45, %mul3A_48 : i32
      %swap3A_50 = arith.index_cast %mul3A_49 : i32 to index
      %swap3A_51 = tpu.vector_load %arg5[%swap3A_50] {strides = array<i32>} : memref<10016xi32, #tpu.memory_space<vmem>>, vector<16xi32>,
      tpu.vector_store %arg5[%swap3A_50], %broadcast_in_dim3A_47 {strides = array<i32>} : memref<10016xi32, #tpu.memory_space<vmem>>, vector<16xi32>,
      %scan3A_52 = arith.constant 2 : i32
      %scan3A_53 = arith.addi %scan3A_37, %scan3A_52 : i32
      %broadcast_in_dim3A_54 = arith.constant 0 : i32
      %broadcast_in_dim3A_55 = vector.broadcast %broadcast_in_dim3A_54 : i32 to vector<16xi32>
      %mul3A_56 = arith.constant 16 : i32
      %mul3A_57 = arith.muli %scan3A_53, %mul3A_56 : i32
      %swap3A_58 = arith.index_cast %mul3A_57 : i32 to index
      %swap3A_59 = tpu.vector_load %arg5[%swap3A_58] {strides = array<i32>} : memref<10016xi32, #tpu.memory_space<vmem>>, vector<16xi32>,
      tpu.vector_store %arg5[%swap3A_58], %broadcast_in_dim3A_55 {strides = array<i32>} : memref<10016xi32, #tpu.memory_space<vmem>>, vector<16xi32>,
      %scan3A_60 = arith.constant 3 : i32
      %scan3A_61 = arith.addi %scan3A_37, %scan3A_60 : i32
      %broadcast_in_dim3A_62 = arith.constant 0 : i32
      %broadcast_in_dim3A_63 = vector.broadcast %broadcast_in_dim3A_62 : i32 to vector<16xi32>
      %mul3A_64 = arith.constant 16 : i32
      %mul3A_65 = arith.muli %scan3A_61, %mul3A_64 : i32
      %swap3A_66 = arith.index_cast %mul3A_65 : i32 to index
      %swap3A_67 = tpu.vector_load %arg5[%swap3A_66] {strides = array<i32>} : memref<10016xi32, #tpu.memory_space<vmem>>, vector<16xi32>,
      tpu.vector_store %arg5[%swap3A_66], %broadcast_in_dim3A_63 {strides = array<i32>} : memref<10016xi32, #tpu.memory_space<vmem>>, vector<16xi32>,
      %scan3A_68 = arith.constant 4 : i32
      %scan3A_69 = arith.addi %scan3A_37, %scan3A_68 : i32
      %broadcast_in_dim3A_70 = arith.constant 0 : i32
      %broadcast_in_dim3A_71 = vector.broadcast %broadcast_in_dim3A_70 : i32 to vector<16xi32>
      %mul3A_72 = arith.constant 16 : i32
      %mul3A_73 = arith.muli %scan3A_69, %mul3A_72 : i32
      %swap3A_74 = arith.index_cast %mul3A_73 : i32 to index
      %swap3A_75 = tpu.vector_load %arg5[%swap3A_74] {strides = array<i32>} : memref<10016xi32, #tpu.memory_space<vmem>>, vector<16xi32>,
      tpu.vector_store %arg5[%swap3A_74], %broadcast_in_dim3A_71 {strides = array<i32>} : memref<10016xi32, #tpu.memory_space<vmem>>, vector<16xi32>,
      %scan3A_76 = arith.constant 5 : i32
      %scan3A_77 = arith.addi %scan3A_37, %scan3A_76 : i32
      %broadcast_in_dim3A_78 = arith.constant 0 : i32
      %broadcast_in_dim3A_79 = vector.broadcast %broadcast_in_dim3A_78 : i32 to vector<16xi32>
      %mul3A_80 = arith.constant 16 : i32
      %mul3A_81 = arith.muli %scan3A_77, %mul3A_80 : i32
      %swap3A_82 = arith.index_cast %mul3A_81 : i32 to index
      %swap3A_83 = tpu.vector_load %arg5[%swap3A_82] {strides = array<i32>} : memref<10016xi32, #tpu.memory_space<vmem>>, vector<16xi32>,
      tpu.vector_store %arg5[%swap3A_82], %broadcast_in_dim3A_79 {strides = array<i32>} : memref<10016xi32, #tpu.memory_space<vmem>>, vector<16xi32>,
      %scan3A_84 = arith.constant 6 : i32
      %scan3A_85 = arith.addi %scan3A_37, %scan3A_84 : i32
      %broadcast_in_dim3A_86 = arith.constant 0 : i32
      %broadcast_in_dim3A_87 = vector.broadcast %broadcast_in_dim3A_86 : i32 to vector<16xi32>
      %mul3A_88 = arith.constant 16 : i32
      %mul3A_89 = arith.muli %scan3A_85, %mul3A_88 : i32
      %swap3A_90 = arith.index_cast %mul3A_89 : i32 to index
      %swap3A_91 = tpu.vector_load %arg5[%swap3A_90] {strides = array<i32>} : memref<10016xi32, #tpu.memory_space<vmem>>, vector<16xi32>,
      tpu.vector_store %arg5[%swap3A_90], %broadcast_in_dim3A_87 {strides = array<i32>} : memref<10016xi32, #tpu.memory_space<vmem>>, vector<16xi32>,
      %scan3A_92 = arith.constant 7 : i32
      %scan3A_93 = arith.addi %scan3A_37, %scan3A_92 : i32
      %broadcast_in_dim3A_94 = arith.constant 0 : i32
      %broadcast_in_dim3A_95 = vector.broadcast %broadcast_in_dim3A_94 : i32 to vector<16xi32>
      %mul3A_96 = arith.constant 16 : i32
      %mul3A_97 = arith.muli %scan3A_93, %mul3A_96 : i32
      %swap3A_98 = arith.index_cast %mul3A_97 : i32 to index
      %swap3A_99 = tpu.vector_load %arg5[%swap3A_98] {strides = array<i32>} : memref<10016xi32, #tpu.memory_space<vmem>>, vector<16xi32>,
      tpu.vector_store %arg5[%swap3A_98], %broadcast_in_dim3A_95 {strides = array<i32>} : memref<10016xi32, #tpu.memory_space<vmem>>, vector<16xi32>,
    }
    %scan3A_11 = arith.constant 624 : i32
    %scan3A_12 = arith.addi %scan3A_7, %scan3A_11 : i32
    %broadcast_in_dim3A = arith.constant 0 : i32
    %broadcast_in_dim3A_13 = vector.broadcast %broadcast_in_dim3A : i32 to vector<16xi32>
    %mul3A_14 = arith.constant 16 : i32
    %mul3A_15 = arith.muli %scan3A_12, %mul3A_14 : i32
    %swap3A = arith.index_cast %mul3A_15 : i32 to index
    %swap3A_16 = tpu.vector_load %arg5[%swap3A] {strides = array<i32>} : memref<10016xi32, #tpu.memory_space<vmem>>, vector<16xi32>,
    tpu.vector_store %arg5[%swap3A], %broadcast_in_dim3A_13 {strides = array<i32>} : memref<10016xi32, #tpu.memory_space<vmem>>, vector<16xi32>,
    %scan3A_17 = arith.constant 625 : i32
    %scan3A_18 = arith.addi %scan3A_7, %scan3A_17 : i32
    %broadcast_in_dim3A_19 = arith.constant 0 : i32
    %broadcast_in_dim3A_20 = vector.broadcast %broadcast_in_dim3A_19 : i32 to vector<16xi32>
    %mul3A_21 = arith.constant 16 : i32
    %mul3A_22 = arith.muli %scan3A_18, %mul3A_21 : i32
    %swap3A_23 = arith.index_cast %mul3A_22 : i32 to index
    %swap3A_24 = tpu.vector_load %arg5[%swap3A_23] {strides = array<i32>} : memref<10016xi32, #tpu.memory_space<vmem>>, vector<16xi32>,
    tpu.vector_store %arg5[%swap3A_23], %broadcast_in_dim3A_20 {strides = array<i32>} : memref<10016xi32, #tpu.memory_space<vmem>>, vector<16xi32>,
    %scan3A_25 = arith.constant 626 : i32
    %broadcast_in_dim3A_26 = arith.constant 1 : i32
    %broadcast_in_dim3A_27 = vector.broadcast %broadcast_in_dim3A_26 : i32 to vector<16xi32>
    %scan3A_28 = arith.constant 0 : i32
    %scan3A_29 = arith.constant 0 : i32
    %scan3A_30 = arith.constant 312 : i32
    %scan3A_31 = arith.addi %scan3A_29, %scan3A_30 : i32
    %scan3A_32 = arith.constant 8 : i32
    scf.for %scan3A_37 = %scan3A_29 to %scan3A_31 step %scan3A_32  : i32 {
      %mul3A_38 = arith.constant 16 : i32
      %mul3A_39 = arith.muli %scan3A_37, %mul3A_38 : i32
      %get3A = arith.index_cast %mul3A_39 : i32 to index
      %get3A_40 = tpu.vector_load %arg4[%get3A] {strides = array<i32>} : memref<5008xi32, #tpu.memory_space<vmem>>, vector<16xi32>,
      tpu.vector_store_idx %arg5[%get3A_40], %broadcast_in_dim3A_27 {add = true} : memref<10016xi32, #tpu.memory_space<vmem>>[vector<16xi32>], vector<16xi32>,
      %scan3A_41 = arith.constant 1 : i32
      %scan3A_42 = arith.addi %scan3A_37, %scan3A_41 : i32
      %mul3A_43 = arith.constant 16 : i32
      %mul3A_44 = arith.muli %scan3A_42, %mul3A_43 : i32
      %get3A_45 = arith.index_cast %mul3A_44 : i32 to index
      %get3A_46 = tpu.vector_load %arg4[%get3A_45] {strides = array<i32>} : memref<5008xi32, #tpu.memory_space<vmem>>, vector<16xi32>,
      tpu.vector_store_idx %arg5[%get3A_46], %broadcast_in_dim3A_27 {add = true} : memref<10016xi32, #tpu.memory_space<vmem>>[vector<16xi32>], vector<16xi32>,
      %scan3A_47 = arith.constant 2 : i32
      %scan3A_48 = arith.addi %scan3A_37, %scan3A_47 : i32
      %mul3A_49 = arith.constant 16 : i32
      %mul3A_50 = arith.muli %scan3A_48, %mul3A_49 : i32
      %get3A_51 = arith.index_cast %mul3A_50 : i32 to index
      %get3A_52 = tpu.vector_load %arg4[%get3A_51] {strides = array<i32>} : memref<5008xi32, #tpu.memory_space<vmem>>, vector<16xi32>,
      tpu.vector_store_idx %arg5[%get3A_52], %broadcast_in_dim3A_27 {add = true} : memref<10016xi32, #tpu.memory_space<vmem>>[vector<16xi32>], vector<16xi32>,
      %scan3A_53 = arith.constant 3 : i32
      %scan3A_54 = arith.addi %scan3A_37, %scan3A_53 : i32
      %mul3A_55 = arith.constant 16 : i32
      %mul3A_56 = arith.muli %scan3A_54, %mul3A_55 : i32
      %get3A_57 = arith.index_cast %mul3A_56 : i32 to index
      %get3A_58 = tpu.vector_load %arg4[%get3A_57] {strides = array<i32>} : memref<5008xi32, #tpu.memory_space<vmem>>, vector<16xi32>,
      tpu.vector_store_idx %arg5[%get3A_58], %broadcast_in_dim3A_27 {add = true} : memref<10016xi32, #tpu.memory_space<vmem>>[vector<16xi32>], vector<16xi32>,
      %scan3A_59 = arith.constant 4 : i32
      %scan3A_60 = arith.addi %scan3A_37, %scan3A_59 : i32
      %mul3A_61 = arith.constant 16 : i32
      %mul3A_62 = arith.muli %scan3A_60, %mul3A_61 : i32
      %get3A_63 = arith.index_cast %mul3A_62 : i32 to index
      %get3A_64 = tpu.vector_load %arg4[%get3A_63] {strides = array<i32>} : memref<5008xi32, #tpu.memory_space<vmem>>, vector<16xi32>,
      tpu.vector_store_idx %arg5[%get3A_64], %broadcast_in_dim3A_27 {add = true} : memref<10016xi32, #tpu.memory_space<vmem>>[vector<16xi32>], vector<16xi32>,
      %scan3A_65 = arith.constant 5 : i32
      %scan3A_66 = arith.addi %scan3A_37, %scan3A_65 : i32
      %mul3A_67 = arith.constant 16 : i32
      %mul3A_68 = arith.muli %scan3A_66, %mul3A_67 : i32
      %get3A_69 = arith.index_cast %mul3A_68 : i32 to index
      %get3A_70 = tpu.vector_load %arg4[%get3A_69] {strides = array<i32>} : memref<5008xi32, #tpu.memory_space<vmem>>, vector<16xi32>,
      tpu.vector_store_idx %arg5[%get3A_70], %broadcast_in_dim3A_27 {add = true} : memref<10016xi32, #tpu.memory_space<vmem>>[vector<16xi32>], vector<16xi32>,
      %scan3A_71 = arith.constant 6 : i32
      %scan3A_72 = arith.addi %scan3A_37, %scan3A_71 : i32
      %mul3A_73 = arith.constant 16 : i32
      %mul3A_74 = arith.muli %scan3A_72, %mul3A_73 : i32
      %get3A_75 = arith.index_cast %mul3A_74 : i32 to index
      %get3A_76 = tpu.vector_load %arg4[%get3A_75] {strides = array<i32>} : memref<5008xi32, #tpu.memory_space<vmem>>, vector<16xi32>,
      tpu.vector_store_idx %arg5[%get3A_76], %broadcast_in_dim3A_27 {add = true} : memref<10016xi32, #tpu.memory_space<vmem>>[vector<16xi32>], vector<16xi32>,
      %scan3A_77 = arith.constant 7 : i32
      %scan3A_78 = arith.addi %scan3A_37, %scan3A_77 : i32
      %mul3A_79 = arith.constant 16 : i32
      %mul3A_80 = arith.muli %scan3A_78, %mul3A_79 : i32
      %get3A_81 = arith.index_cast %mul3A_80 : i32 to index
      %get3A_82 = tpu.vector_load %arg4[%get3A_81] {strides = array<i32>} : memref<5008xi32, #tpu.memory_space<vmem>>, vector<16xi32>,
      tpu.vector_store_idx %arg5[%get3A_82], %broadcast_in_dim3A_27 {add = true} : memref<10016xi32, #tpu.memory_space<vmem>>[vector<16xi32>], vector<16xi32>,
    }
    %scan3A_33 = arith.constant 312 : i32
    %convert_element_type3A_34 = arith.extui %lt3A_1 : i1 to i32
    %cond3A_35 = arith.constant 0 : i32
    %cond3A_36 = arith.cmpi ne, %convert_element_type3A_34, %cond3A_35 : i32
    scf.if %cond3A_36 {
      %get3A = arith.constant 4992 : index
      %get3A_37 = tpu.vector_load %arg4[%get3A] {strides = array<i32>} : memref<5008xi32, #tpu.memory_space<vmem>>, vector<16xi32>,
      tpu.vector_store_idx %arg5[%get3A_37], %broadcast_in_dim3A_27 {add = true} : memref<10016xi32, #tpu.memory_space<vmem>>[vector<16xi32>], vector<16xi32>,
    } else {
    }
    "tpu.region"() ({
      %run_scoped3A = tpu.sem_alloc : memref<!tpu.dma_semaphore, #tpu.memory_space<semaphore_mem>>
      %dma_start3A = arith.constant 0 : i32
      %dma_start3A_37 = tpu.memref_slice %arg3[%add3A, %dma_start3A] : memref<32x10016xi32, #tpu.memory_space<hbm>> -> memref<1x10016xi32, #tpu.memory_space<hbm>>
      %dma_start3A_38 = tpu.memref_squeeze %dma_start3A_37 : memref<1x10016xi32, #tpu.memory_space<hbm>> -> memref<10016xi32, #tpu.memory_space<hbm>>
      %dma_start3A_39 = arith.constant 0 : i32
      %dma_start3A_40 = tpu.memref_slice %arg3[%add3A, %dma_start3A_39] : memref<32x10016xi32, #tpu.memory_space<hbm>> -> memref<1x10016xi32, #tpu.memory_space<hbm>>
      %dma_start3A_41 = tpu.memref_squeeze %dma_start3A_40 : memref<1x10016xi32, #tpu.memory_space<hbm>> -> memref<10016xi32, #tpu.memory_space<hbm>>
      tpu.enqueue_dma source(%arg5 : memref<10016xi32, #tpu.memory_space<vmem>>) target(%dma_start3A_41 : memref<10016xi32, #tpu.memory_space<hbm>>) target_semaphore(%run_scoped3A : memref<!tpu.dma_semaphore, #tpu.memory_space<semaphore_mem>>)
      %dma_wait3A = arith.constant 0 : i32
      %dma_wait3A_42 = tpu.memref_slice %arg3[%add3A, %dma_wait3A] : memref<32x10016xi32, #tpu.memory_space<hbm>> -> memref<1x10016xi32, #tpu.memory_space<hbm>>
      %dma_wait3A_43 = tpu.memref_squeeze %dma_wait3A_42 : memref<1x10016xi32, #tpu.memory_space<hbm>> -> memref<10016xi32, #tpu.memory_space<hbm>>
      %dma_wait3A_44 = arith.constant 0 : i32
      %dma_wait3A_45 = tpu.memref_slice %arg3[%add3A, %dma_wait3A_44] : memref<32x10016xi32, #tpu.memory_space<hbm>> -> memref<1x10016xi32, #tpu.memory_space<hbm>>
      %dma_wait3A_46 = tpu.memref_squeeze %dma_wait3A_45 : memref<1x10016xi32, #tpu.memory_space<hbm>> -> memref<10016xi32, #tpu.memory_space<hbm>>
      tpu.wait_dma2 semaphore(%run_scoped3A : memref<!tpu.dma_semaphore, #tpu.memory_space<semaphore_mem>>) src(%arg5 : memref<10016xi32, #tpu.memory_space<vmem>>) dst(%dma_wait3A_46 : memref<10016xi32, #tpu.memory_space<hbm>>)
      tpu.yield
    }) : () -> ()
    return
  }
}

module attributes {stable_mosaic.version = 14 : i64} {
  func.func @_scale_body(%arg0: i32, %arg1: memref<32x5120xi32, #tpu.memory_space<vmem>>, %arg2: memref<5120x256xf32, #tpu.memory_space<vmem>>, %arg3: memref<5120x256xf32, #tpu.memory_space<vmem>>) attributes {dimension_semantics = [#tpu.dimension_semantics<arbitrary>], iteration_bounds = array<i64: 2>, scalar_prefetch = 0 : i64, scratch_operands = 0 : i64, tpu.core_type = #tpu.core_type<tc>, window_params = [{transform_indices = @transform_0, window_bounds = array<i64: 32, 5120>}, {transform_indices = @transform_1, window_bounds = array<i64: 5120, 256>}, {transform_indices = @transform_2, window_bounds = array<i64: 5120, 256>}]} {
    %get3A = arith.constant 0 : index
    %get3A_0 = arith.constant 0 : index
    %get3A_1 = vector.load %arg1[%get3A, %get3A_0] : memref<32x5120xi32, #tpu.memory_space<vmem>>, vector<32x5120xi32>
    %reduce_sum3A = arith.constant dense<0> : vector<5120xi32>
    %reduce_sum3A_2 = vector.multi_reduction <add>, %get3A_1, %reduce_sum3A [0] : vector<32x5120xi32> to vector<5120xi32>
    %convert_element_type3A = arith.sitofp %reduce_sum3A_2 : vector<5120xi32> to vector<5120xf32>
    %get3A_3 = arith.constant 0 : index
    %get3A_4 = arith.constant 0 : index
    %get3A_5 = vector.load %arg2[%get3A_3, %get3A_4] : memref<5120x256xf32, #tpu.memory_space<vmem>>, vector<5120x256xf32>
    %broadcast_in_dim3A = vector.shape_cast %convert_element_type3A : vector<5120xf32> to vector<5120x1xf32>
    %mul3A = vector.broadcast %broadcast_in_dim3A : vector<5120x1xf32> to vector<5120x256xf32>
    %mul3A_6 = arith.mulf %get3A_5, %mul3A : vector<5120x256xf32>
    %swap3A = arith.constant 0 : index
    %swap3A_7 = arith.constant 0 : index
    %swap3A_8 = vector.load %arg3[%swap3A, %swap3A_7] : memref<5120x256xf32, #tpu.memory_space<vmem>>, vector<5120x256xf32>
    tpu.vector_store %arg3[%swap3A, %swap3A_7], %mul3A_6 {strides = array<i32>} : memref<5120x256xf32, #tpu.memory_space<vmem>>, vector<5120x256xf32>,
    return
  }
  func.func @transform_0(%arg0: i32) -> (i32, i32) {
    %c0_i32 = arith.constant 0 : i32
    %c0_i32_0 = arith.constant 0 : i32
    return %c0_i32, %arg0 : i32, i32
  }
  func.func @transform_1(%arg0: i32) -> (i32, i32) {
    %c0_i32 = arith.constant 0 : i32
    %c0_i32_0 = arith.constant 0 : i32
    return %arg0, %c0_i32 : i32, i32
  }
  func.func @transform_2(%arg0: i32) -> (i32, i32) {
    %c0_i32 = arith.constant 0 : i32
    %c0_i32_0 = arith.constant 0 : i32
    return %arg0, %c0_i32 : i32, i32
  }
}

</mosaic_0001>

<sc_bundles>
// kernel: kernel.4.cloned.1.call-start
scs
__scs_entry_jumppad:
0x0: {  	(pc) =	sbr.rel $0x88, $3  }
0x1: {  	(tag) =	ssettag $0x0;
	lr =	simm.s32 $0x1  }
0x2: {  	[smem:$0x3F9F] =	sst lr;
	_ =	strace $0xD0000000  }
0x3: {  	_ = 	snop  }
0x4: {  	_ = 	snop  }
0x5: {  	_ = 	snop  }
0x6: {  	_ = 	snop  }
0x7: {  	_ = 	snop  }
__scs_overlays_trampoline_lowered:
0x8: {  	[smem:$0x3FAE] =	sst s0  }
0x9: {  	[smem:$0x3FAF] =	sst s1  }
0xa: {  	[smem:$0x3FB0] =	sst s2  }
0xb: {  	[smem:$0x3FB1] =	sst s3  }
0xc: {  	[smem:$0x3FB2] =	sst s4  }
0xd: {  	[smem:$0x3FB3] =	sst s5  }
0xe: {  	[smem:$0x3FB4] =	sst s6  }
0xf: {  	[smem:$0x3FB5] =	sst s7  }
0x10: {  	[smem:$0x3FB6] =	sst s8  }
0x11: {  	[smem:$0x3FB7] =	sst s9;
	s0 =	simm.s32 @!p0 $0x0  }
0x12: {  	s1 =	sld [smem:$0x3F9D];
	s0 =	simm.s32 @p0 $0x1  }
0x13: {  	[smem:$0x3FB8] =	sst s0;
	s0 =	simm.s32 @!p1 $0x0  }
0x14: {  	s2 =	sld [smem:$0x3F9C];
	s0 =	simm.s32 @p1 $0x1  }
0x15: {  	[smem:$0x3FB9] =	sst s0;
	s0 =	simm.s32 @!p2 $0x0  }
0x16: {  	s3 =	sld [smem:$0x3FDB];
	s0 =	simm.s32 @p2 $0x1  }
0x17: {  	s4 =	simm.s32 $0x1BF5;
	[smem:$0x3FBB] =	sst s0  }
0x18: {  	s0 =	sld [smem:$0x3F9E];
	_ =	swait.ge [sflag:s4], $0x0  }
0x19: {  	s7 =	sld [smem:$0x3F9F]  }
0x1a: {  	s8 =	sadd.s32 $0xFFFFE003, lr  }
0x1b: {  	s9 =	sadd.s32 $0xFFFFFEF7, lr;
	s5 =	simm.s32 $0xFFFFFFFF;
	p2 =	slt.u32 s8, $0xFFFFF086  }
0x1c: {  	p1 =	slt.u32 s9, $0xF7A;
	s5 =	simm.s32 @!p2 $0x0  }
0x1d: {  	s5 =	simm.s32 @p1 $0x1;
	p0 =	seq.s32 s7, s2  }
0x1e: {  	s7 =	smul.u32 @!p0 $0xF7A, s2;
	p2 =	seq.s32 @!p0 s5, $0x0  }
0x1f: {  	s9 =	smul.u32 $0xF7A, s1;
	s8 =	simm.s32 @!p0 $0x1BF5;
	p2 =	por !p2, p0  }
0x20: {  	[sflag:s8] =	ssyncset.s32 @!p0 $0xFFFFF086;
	s6 =	sadd.s32 @!p0 s3, s7;
	s7 =	simm.s32 @!p0 $0x108  }
0x21: {  	s3 =	sadd.s32 s3, s9;
	s6 =	sadd.s32 @!p0 $0x88, s6;
	s7 =	simm.s32 @p2 $0x1082  }
0x22: {  	[simem:s7], [sflag:s8] =	dma.local @!p0 [hbm:s6], $0xF7A  }
0x23: {  	s9 =	sor.u32 $0xD0000000, s2;
	s6 =	simm.s32 $0x108;
	_ =	swait.ge @!p0 [sflag:s8], $0x0  }
0x24: {  	s3 =	sadd.s32 $0x88, s3;
	s6 =	simm.s32 @!p1 $0x1082;
	[sflag:s4] =	ssyncset.s32 $0xFFFFF086  }
0x25: {  	[simem:s6], [sflag:s4] =	dma.local [hbm:s3], $0xF7A  }
0x26: {  	[smem:$0x3F9F] =	sst s1;
	(tag) =	ssettag s2;
	_ =	strace s9  }
0x27: {  	s1 =	sld [smem:$0x3FAF]  }
0x28: {  	s2 =	sld [smem:$0x3FB0]  }
0x29: {  	s4 =	sld [smem:$0x3FB2]  }
0x2a: {  	p0 =	seq.s32 s5, $0x0;
	s5 =	sld [smem:$0x3FB3]  }
0x2b: {  	s6 =	sld [smem:$0x3FB4]  }
0x2c: {  	s7 =	sld [smem:$0x3FB5]  }
0x2d: {  	s3 =	simm.s32 $0x108;
	s8 =	sld [smem:$0x3FB6]  }
0x2e: {  	s3 =	simm.s32 @!p0 $0x1082;
	s9 =	sld [smem:$0x3FB7]  }
0x2f: {  	lr =	sadd.s32 s0, s3;
	s0 =	sld [smem:$0x3FAE]  }
0x30: {  	s3 =	sld [smem:$0x3FB1]  }
0x31: {  	[smem:$0x3FBA] =	sst s10  }
0x32: {  	s10 =	sld [smem:$0x3FB8];
	_ =	sdelay $0x3  }
0x33: {  	p0 =	seq.s32 s10, $0x1;
	s10 =	sld [smem:$0x3FBA];
	_ =	sdelay $0x3  }
0x34: {  	[smem:$0x3FBA] =	sst s10  }
0x35: {  	s10 =	sld [smem:$0x3FB9];
	_ =	sdelay $0x3  }
0x36: {  	p1 =	seq.s32 s10, $0x1;
	s10 =	sld [smem:$0x3FBA];
	_ =	sdelay $0x3  }
0x37: {  	[smem:$0x3FBA] =	sst s10  }
0x38: {  	s10 =	sld [smem:$0x3FBB]  }
0x39: {  	_ = 	snop;
	(pc) =	sbr.ind lr, $3  }
0x3a: {  	_ = 	snop  }
0x3b: {  	_ = 	snop  }
0x3c: {  	p2 =	seq.s32 s10, $0x1;
	s10 =	sld [smem:$0x3FBA]  }
0x3d: {  	_ =	shalt  }
0x3e: {  	_ =	shalt  }
0x3f: {  	_ =	shalt  }
0x40: {  	_ =	shalt  }
0x41: {  	_ =	shalt  }
0x42: {  	_ =	shalt  }
0x43: {  	_ =	shalt  }
0x44: {  	_ =	shalt  }
0x45: {  	_ =	shalt  }
0x46: {  	_ =	shalt  }
0x47: {  	_ =	shalt  }
0x48: {  	_ =	shalt  }
0x49: {  	_ =	shalt  }
0x4a: {  	_ =	shalt  }
0x4b: {  	_ =	shalt  }
0x4c: {  	_ =	shalt  }
0x4d: {  	_ =	shalt  }
0x4e: {  	_ =	shalt  }
0x4f: {  	_ =	shalt  }
0x50: {  	_ =	shalt  }
0x51: {  	_ =	shalt  }
0x52: {  	_ =	shalt  }
0x53: {  	_ =	shalt  }
0x54: {  	_ =	shalt  }
0x55: {  	_ =	shalt  }
0x56: {  	_ =	shalt  }
0x57: {  	_ =	shalt  }
0x58: {  	_ =	shalt  }
0x59: {  	_ =	shalt  }
0x5a: {  	_ =	shalt  }
0x5b: {  	_ =	shalt  }
0x5c: {  	_ =	shalt  }
0x5d: {  	_ =	shalt  }
0x5e: {  	_ =	shalt  }
0x5f: {  	_ =	shalt  }
0x60: {  	_ =	shalt  }
0x61: {  	_ =	shalt  }
0x62: {  	_ =	shalt  }
0x63: {  	_ =	shalt  }
0x64: {  	_ =	shalt  }
0x65: {  	_ =	shalt  }
0x66: {  	_ =	shalt  }
0x67: {  	_ =	shalt  }
0x68: {  	_ =	shalt  }
0x69: {  	_ =	shalt  }
0x6a: {  	_ =	shalt  }
0x6b: {  	_ =	shalt  }
0x6c: {  	_ =	shalt  }
0x6d: {  	_ =	shalt  }
0x6e: {  	_ =	shalt  }
0x6f: {  	_ =	shalt  }
0x70: {  	_ =	shalt  }
0x71: {  	_ =	shalt  }
0x72: {  	_ =	shalt  }
0x73: {  	_ =	shalt  }
0x74: {  	_ =	shalt  }
0x75: {  	_ =	shalt  }
0x76: {  	_ =	shalt  }
0x77: {  	_ =	shalt  }
0x78: {  	_ =	shalt  }
0x79: {  	_ =	shalt  }
0x7a: {  	_ =	shalt  }
0x7b: {  	_ =	shalt  }
0x7c: {  	_ =	shalt  }
0x7d: {  	_ =	shalt  }
0x7e: {  	_ =	shalt  }
0x7f: {  	_ =	shalt  }
0x80: {  	_ =	shalt  }
0x81: {  	_ =	shalt  }
0x82: {  	_ =	shalt  }
0x83: {  	_ =	shalt  }
0x84: {  	_ =	shalt  }
0x85: {  	_ =	shalt  }
0x86: {  	_ =	shalt  }
0x87: {  	_ =	shalt  }
.Lfunc_end0:
.L_simem_size_0:
called_computation_lowered:
.L_overlay_start_0:
0x88: {  	s2 =	sld [smem:$0x3FD9]  }
0x89: {  	s3 =	sld [smem:$0x3FFE];
	_ =	sdelay $0x1  }
0x8a: {  	s1 =	srdreg.scid  }
0x8b: {  	s0 =	sand.u32 $0x1, s1  }
0x8c: {  	s17 =	sshll.u32 s0, $0xA;
	s2 =	sadd.s32 s3, s2  }
0x8d: {  	s2 =	sadd.s32 s2, s17  }
0x8e: {  	[smem:$0x3FC6] =	sst s2  }
0x8f: {  	_ = 	snop  }
0x90: {  	s2 =	sld [smem:$0x3FD0];
	(tm) =	ssettm $0x1  }
0x91: {  	s18 =	sld [smem:$0x3FFB];
	_ =	sdelay $0x3  }
0x92: {  	_ =	strace s18  }
0x93: {  	s3 =	sld [smem:$0x3FFC];
	_ =	sdelay $0x3  }
0x94: {  	_ =	strace s3  }
0x95: {  	s3 =	sld [smem:$0x3FFD];
	_ =	sdelay $0x3  }
0x96: {  	_ =	strace s3  }
0x97: {  	_ =	strace $0x8FFFFFFF  }
0x98: {  	s19 =	sld [smem:$0x3FDB];
	_ =	sdelay $0x1  }
0x99: {  	s4 =	simm.s32 $_scs_section_size  }
0x9a: {  	s5 =	simm.s32 $_size__tile_overlayer_lowered;
	s6 =	simm.s32 $_tile_overlayer_lowered  }
0x9b: {  	s22 =	simm.s32 $0x1BFF;
	s21 =	sshll.u32 s6, $0x1;
	s3 =	sadd.s32 s4, s19  }
0x9c: {  	s7 =	simm.s32 $0x0;
	s20 =	sshll.u32 s5, $0x1;
	s5 =	sadd.s32 s21, s3  }
0x9d: {  	[timem:s7], [sflag:s22] =	dma.local [hbm:s5], s20  }
0x9e: {  	_ =	swait.ge [sflag:s22], s20  }
0x9f: {  	s4 =	ssub.s32 $0x0, s20;
	[sflag:s22] =	ssyncset.done $0x0  }
0xa0: {  	[sflag:s22] =	ssyncadd.s32 s4;
	_ =	sdelay $0x1  }
0xa1: {  	s23 =	simm.s32 $0x1B8B  }
0xa2: {  	_ =	swait.ge [sflag:s23], $0x1  }
0xa3: {  	[sflag:s23] =	ssyncset.done $0x0  }
0xa4: {  	s25 =	simm.s32 $0x1B8E;
	s24 =	sld [smem:$0x3FFE];
	[sflag:s23] =	ssyncadd.s32 $0xFFFFFFFF  }
0xa5: {  	s26 =	simm.s32 $execute0_lowered;
	[smem:$0x3FD2] =	sst s25  }
0xa6: {  	s5 =	sshll.u32 s26, $0x1;
	_ =	strace $0x80000046;
	[dreg:$0x1] =	wrdreg $0xFFFFFFFF  }
0xa7: {  	s28 =	simm.s32 $_size_execute0_lowered;
	s3 =	sadd.s32 s3, s5;
	[dreg:$0x0] =	wrdreg $0x0  }
0xa8: {  	s5 =	sshll.u32 s28, $0x1;
	[dreg:$0x2] =	wrdreg s3  }
0xa9: {  	[dreg:$0x3] =	wrdreg s5  }
0xaa: {  	[dreg:$0x4] =	wrdreg $0xC0  }
0xab: {  	_ =	task [dreg:s7], $0x5FFFF  }
0xac: {  	[dreg:$0x1] =	wrdreg $0xFFFFFFFF  }
0xad: {  	[dreg:$0x0] =	wrdreg $0x60  }
0xae: {  	[dreg:$0x2] =	wrdreg s24  }
0xaf: {  	[dreg:$0x3] =	wrdreg s2  }
0xb0: {  	[dreg:$0x4] =	wrdreg $0x9  }
0xb1: {  	_ =	task.clear_ibuf [dreg:s7], $0x5FFFF;
	_ =	strace $0x90000046  }
0xb2: {  	s29 =	simm.s32 $0x9;
	_ =	strace $0x80000048  }
0xb3: {  	_ =	swait.ge [sflag:s29], $0x1  }
0xb4: {  	[sflag:s29] =	ssyncadd.s32 $0xFFFFFFFF  }
0xb5: {  	_ =	strace $0x90000048  }
0xb6: {  	_ =	sfence  }
0xb7: {  	s30 =	sld [smem:$0x0];
	_ =	sdelay $0x2  }
0xb8: {  	s31 =	sshll.u32 s1, $0xD;
	s1 =	sshrl.u32 s1, $0x2  }
0xb9: {  	s3 =	sand.u32 $0x4000, s31;
	s1 =	sadd.s32 s1, s30  }
0xba: {  	s0 =	sor.u32 s3, s0;
	s1 =	sshll.u32 s1, $0x11  }
0xbb: {  	s0 =	sor.u32 s1, s0  }
0xbc: {  	s0 =	sadd.s32 $0x8F2B, s0  }
0xbd: {  	[sflag:s0] =	ssyncadd.remote.s32 $0x1  }
0xbe: {  	_ =	sfence.sel $0xFFFF  }
0xbf: {  	[dreg:$0x0] =	wrdreg $0xFFFFFFFF;
	(pc) =	sbr.abs _section_cstart, $3  }
0xc0: {  	[dreg:$0x1] =	wrdreg $0xFFFFFFFF  }
0xc1: {  	_ =	task.clear_ibuf [dreg:s7], $0x2FFFF;
	_ =	strace $0x9FFFFFFF  }
0xc2: {  	(tm) =	ssettm $0x7FFFFFFF  }
0xc3: {  	_ =	shalt  }
tec
execute0_lowered:
.L_overlay_start_1:
0x0: {  	(tag) =	ssettag $0x1  }
0x1: {  	s3 =	rddreg [dreg:$0x0]  }
0x2: {  	s5 =	rddreg [dreg:$0x1]  }
0x3: {  	s0 =	rddreg [dreg:$0x2];
	s4 =	srdreg.scid  }
0x4: {  	s1 =	stileid.u32;
	s2 =	simm.s32 $0x0;
	s4 =	sand.u32 $0x1, s4  }
0x5: {  	s6 =	sshll.u32 s1, $0x1;
	[smem:$0x7FF] =	sst s2;
	s8 =	sshrl.u32 s1, $0x2  }
0x6: {  	s10 =	sadd.s32 $0x400, s3;
	s6 =	sor.u32 s4, s6;
	s8 =	smul.u32 $0x13C00, s8  }
0x7: {  	p0 =	sgt.u32 s1, $0x7;
	s4 =	ssub.s32 $0x2, s4;
	s7 =	smul.u32 $0x1380, s6  }
0x8: {  	s9 =	sshll.u32 s6, $0x7;
	s28 =	sshrl.u32 s4, $0x1;
	s6 =	smul.u32 $0x272, s6  }
0x9: {  	_ =	strace $0x80000047;
	s9 =	sand.u32 $0x380, s9;
	s29 =	ssub.s32 s4, s28  }
0xa: {  	s7 =	sshrl.u32 s7, $0x3;
	s8 =	sor.u32 s8, s9;
	s4 =	sadd.s32 s10, s6  }
0xb: {  	s6 =	smax.u32 s29, $0x1;
	s9 =	simm.s32 $0x400;
	s30 =	sadd.s32 s10, s7  }
0xc: {  	s31 =	sshrl.u32 s8, $0x3;
	s7 =	simm.s32 $0x1400;
	s8 =	simm.s32 $0x80  }
0xd: {  	v0 =	vimm.s32 $0x0;
	v1 =	vimm.s32 $0x1;
	s10 =	simm.s32 $0x1;
	s3 =	sadd.s32 $0x20, s30;
	s5 =	sadd.s32 s5, s31  }
.LBB2_1:
0xe: {  	s11 =	simm.s32 @p0 $0x0  }
0xf: {  	[tilespmem:s11], [sflag:$0x1] =	stream.linear.gather @p0 [hbm4b:s3+s11], $0x1380, $0x38;
	[tilespmem:$0x3B80] =	vst v63  }
0x10: {  	s11 =	simm.s32 @p0 $0x1  }
0x11: {  	_ =	swait.ge @p0 [sflag:s11], $0x1380  }
0x12: {  	[sflag:s11] =	ssyncset.done @p0 $0x0  }
0x13: {  	[sflag:s11] =	ssyncadd.s32 @p0 $0xFFFFEC80;
	s11 =	simm.s32 @!p0 $0x0  }
0x14: {  	[tilespmem:s11], [sflag:$0x1] =	stream.linear.gather @!p0 [hbm4b:s4+s11], $0x1390, $0x38;
	[tilespmem:$0x3B80] =	vst v63  }
0x15: {  	s11 =	simm.s32 @!p0 $0x1  }
0x16: {  	_ =	swait.ge @!p0 [sflag:s11], $0x1390  }
0x17: {  	[sflag:s11] =	ssyncset.done @!p0 $0x0  }
0x18: {  	[sflag:s11] =	ssyncadd.s32 @!p0 $0xFFFFEC70;
	s11 =	simm.s32 $0x1440  }
0x19: {  	[tilespmem:s11+$0xFFFFFFC0] =	vst v0  }
0x1a: {  	[tilespmem:s11+$0x30] =	vst v0  }
0x1b: {  	[tilespmem:s11+$0x20] =	vst v0  }
0x1c: {  	[tilespmem:s11+$0x10] =	vst v0  }
0x1d: {  	[tilespmem:s11+$0x0] =	vst v0  }
0x1e: {  	[tilespmem:s11+$0xFFFFFFF0] =	vst v0  }
0x1f: {  	s12 =	simm.s32 $0x0;
	[tilespmem:s11+$0xFFFFFFE0] =	vst v0  }
.LBB2_2:
0x20: {  	s12 =	sadd.s32 $0x8, s12;
	[tilespmem:s11+$0xFFFFFFD0] =	vst v0;
	s11 =	sadd.s32 $0x80, s11  }
0x21: {  	[tilespmem:s11+$0xFFFFFFC0] =	vst v0;
	p1 =	slt.u32 s12, $0x268  }
0x22: {  	[tilespmem:s11+$0x30] =	vst v0  }
.Ltmp0:
0x23: {  	[tilespmem:s11+$0x20] =	vst v0;
	(pc) =	sbr.rel @p1 .LBB2_2-.Ltmp0, $4  }
0x24: {  	[tilespmem:s11+$0x10] =	vst v0  }
0x25: {  	[tilespmem:s11+$0x0] =	vst v0  }
0x26: {  	[tilespmem:s11+$0xFFFFFFF0] =	vst v0  }
0x27: {  	[tilespmem:s11+$0xFFFFFFE0] =	vst v0  }
0x28: {  	[tilespmem:s11+$0xFFFFFFD0] =	vst v0  }
0x29: {  	[tilespmem:$0x3B00] =	vst v0  }
0x2a: {  	s11 =	simm.s32 $0xFFFFFFF8;
	s12 =	simm.s32 $0x40;
	[tilespmem:$0x3B10] =	vst v0  }
.LBB2_4:
0x2b: {  	v2 =	vld [tilespmem:s12+$0xFFFFFFC0];
	_ =	sdelay $0x7  }
0x2c: {  	[tilespmem:v2+s7+$0x0] =	vst.idx.add.s32.msk $0xffff, v1  }
0x2d: {  	v2 =	vld [tilespmem:s12+$0xFFFFFFD0];
	_ =	sdelay $0x7  }
0x2e: {  	[tilespmem:v2+s7+$0x0] =	vst.idx.add.s32.msk $0xffff, v1  }
0x2f: {  	v2 =	vld [tilespmem:s12+$0xFFFFFFE0];
	_ =	sdelay $0x7  }
0x30: {  	[tilespmem:v2+s7+$0x0] =	vst.idx.add.s32.msk $0xffff, v1  }
0x31: {  	v2 =	vld [tilespmem:s12+$0xFFFFFFF0];
	_ =	sdelay $0x7  }
0x32: {  	[tilespmem:v2+s7+$0x0] =	vst.idx.add.s32.msk $0xffff, v1  }
0x33: {  	v2 =	vld [tilespmem:s12+$0x0];
	_ =	sdelay $0x7  }
0x34: {  	[tilespmem:v2+s7+$0x0] =	vst.idx.add.s32.msk $0xffff, v1  }
0x35: {  	v2 =	vld [tilespmem:s12+$0x10];
	_ =	sdelay $0x7  }
0x36: {  	[tilespmem:v2+s7+$0x0] =	vst.idx.add.s32.msk $0xffff, v1  }
0x37: {  	v2 =	vld [tilespmem:s12+$0x20];
	_ =	sdelay $0x7  }
0x38: {  	[tilespmem:v2+s7+$0x0] =	vst.idx.add.s32.msk $0xffff, v1  }
0x39: {  	v2 =	vld [tilespmem:s12+$0x30];
	_ =	sdelay $0x1  }
0x3a: {  	s11 =	sadd.s32 $0x8, s11  }
0x3b: {  	p1 =	slt.u32 s11, $0x130  }
.Ltmp1:
0x3c: {  	_ = 	snop;
	(pc) =	sbr.rel @p1 .LBB2_4-.Ltmp1, $2  }
0x3d: {  	_ =	sdelay $0x2  }
0x3e: {  	s12 =	sadd.s32 $0x80, s12;
	[tilespmem:v2+s7+$0x0] =	vst.idx.add.s32.msk $0xffff, v1  }
0x3f: {  	v2 =	vld @!p0 [tilespmem:$0x1380];
	_ =	sdelay $0x5  }
0x40: {  	s2 =	sadd.s32 $0x1, s2  }
0x41: {  	v3 =	vimm.s32 @!p0 $0x1;
	s11 =	simm.s32 @!p0 $0x1400;
	p1 =	sne.s32 s2, s6  }
.Ltmp2:
0x42: {  	[tilespmem:v2+s11+$0x0] =	vst.idx.add.s32.msk @!p0 $0xffff, v3;
	(pc) =	sbr.rel @p1 .LBB2_1-.Ltmp2, $4  }
0x43: {  	[hbm4b:s5+s8] =	stream.strided.scatter [tilespmem:s7], [sflag:$0x1], $0x2780, s9, s8, $0x38;
	[tilespmem:$0x3B80] =	vst v63  }
0x44: {  	_ =	swait.ge [sflag:s10], $0x2780  }
0x45: {  	[sflag:s10] =	ssyncset.done $0x0  }
0x46: {  	[sflag:s10] =	ssyncadd.s32 $0xFFFFD880  }
0x47: {  	_ =	sfence.sel $0x180000  }
0x48: {  	[bflag:$0x0] =	sbarrier.arrive $0xFFFF  }
0x49: {  	p0 =	sne.s32 s1, $0x0;
	_ =	strace $0x90000047  }
0x4a: {  	s0 =	sadd.s32 @!p0 $0x100000, s0;
	[bflag:$0x2] =	sbarrier.arrive $0xFFFF  }
0x4b: {  	[sflag:s0] =	ssyncadd.tile.s32 @!p0 $0x1;
	_ =	shalt  }
.Lfunc_end2:
_tile_overlayer_lowered:
.L_overlay_start_2:
0x4c: {  	(tag) =	ssettag $0x2  }
0x4d: {  	s0 =	rddreg [dreg:$0x0];
	s2 =	stileid.u32  }
0x4e: {  	s1 =	rddreg [dreg:$0x1];
	p0 =	sne.s32 s2, $0x0  }
0x4f: {  	s3 =	rddreg [dreg:$0x2];
	[bflag:$0x3] =	sbarrier.arrive $0xFFFF;
	s2 =	simm.s32 @!p0 $0x1C01  }
0x50: {  	[timem:s3], [sflag:s2] =	dma.local @!p0 [hbm:s0], s1  }
0x51: {  	s0 =	simm.s32 @!p0 $0x1  }
0x52: {  	_ =	swait.ge @!p0 [sflag:s0], s1  }
0x53: {  	s1 =	ssub.s32 @!p0 $0x0, s1;
	[sflag:s0] =	ssyncset.done @!p0 $0x0  }
0x54: {  	[sflag:s0] =	ssyncadd.s32 @!p0 s1  }
0x55: {  	[bflag:$0x3] =	sbarrier.arrive $0xFFFF  }
0x56: {  	_ =	shalt  }

</sc_bundles>
